<compile_context>
chip_gen: v7x
topology: tpu7x:2x2x1
jax: 0.10.2.dev20260603
libtpu: 0.0.44.dev20260713+nightly
codegen_flags: <defaults>
</compile_context>

<pallas_src>
import jax
import jax.numpy as jnp
from jax import lax
from jax.experimental import pallas as pl
from jax.experimental.pallas import tpu as pltpu
from jax.experimental.pallas import tpu_sc as plsc

B_, NP_, PD_ = 64, 576, 768
ROW_ = NP_ * PD_
NW_ = 32
SL_ = ROW_ // NW_
NBUF_ = 4
INNER_ = 16
OUTER_ = SL_ // (16 * INNER_)


def _sc_body(x_hbm, t_hbm, o_hbm, tbuf, b0, b1, b2, b3,
             si0, si1, si2, si3, so0, so1, so2, so3):
    w = lax.axis_index("s") * 2 + lax.axis_index("c")
    base = pl.multiple_of(w * SL_, 8)
    pltpu.sync_copy(t_hbm.at[pl.ds(base, SL_)], tbuf)

    bufs = [b0, b1, b2, b3]
    isems = [si0, si1, si2, si3]
    osems = [so0, so1, so2, so3]

    def off(c):
        return pl.multiple_of(c * ROW_ + base, 8)

    def start_in(c, j):
        pltpu.make_async_copy(x_hbm.at[pl.ds(off(c), SL_)], bufs[j], isems[j]).start()

    def wait_in(j):
        pltpu.make_async_copy(x_hbm.at[pl.ds(base, SL_)], bufs[j], isems[j]).wait()

    def start_out(c, j):
        pltpu.make_async_copy(bufs[j], o_hbm.at[pl.ds(off(c), SL_)], osems[j]).start()

    def wait_out(j):
        pltpu.make_async_copy(bufs[j], o_hbm.at[pl.ds(base, SL_)], osems[j]).wait()

    def compute(j):
        buf = bufs[j]

        def body(i, carry):
            o = i * (INNER_ * 16)
            for k in range(INNER_):
                p = o + k * 16
                plsc.addupdate(buf.at[pl.ds(p, 16)], tbuf[pl.ds(p, 16)])
            return carry

        lax.fori_loop(0, OUTER_, body, 0)

    start_in(0, 0)

    def round_(g, carry):
        for j in range(NBUF_):
            c = g * NBUF_ + j
            jn = (j + 1) % NBUF_

            @pl.when(c >= NBUF_ - 1)
            def _():
                wait_out(jn)

            @pl.when(c < B_ - 1)
            def _():
                start_in(c + 1, jn)

            wait_in(j)
            start_out(c, j)
        return carry

    lax.fori_loop(0, B_ // NBUF_, round_, 0)
    for j in range(1, NBUF_):
        wait_out(j)


def kernel(encoded_patches, pos_table):
    x = encoded_patches.reshape(-1)
    t = pos_table.reshape(-1)
    mesh = plsc.VectorSubcoreMesh(
        core_axis_name="c", subcore_axis_name="s", num_cores=2, num_subcores=16
    )
    run = pl.kernel(
        _sc_body,
        out_type=jax.ShapeDtypeStruct((B_ * ROW_,), jnp.float32),
        mesh=mesh,
        scratch_types=(
            [pltpu.VMEM((SL_,), jnp.float32) for _ in range(5)]
            + [pltpu.SemaphoreType.DMA for _ in range(8)]
        ),
    )
    out = run(x, t)
    return out.reshape(B_, NP_, PD_)

# --- scband reference (transcript-rebuilt; emitter-appended) ---
"""Pipeline reference for scband-patch-encoder-32349693673777 (READ-ONLY COPY).

The authoritative reference and input builder live on the scoring server;
editing this copy changes nothing except your own understanding.
"""

import jax, jax.numpy as jnp
import numpy as np

NUM_PATCHES = 576
PROJ_DIM = 768
BATCH = 64

def setup_inputs(seed: int = 0) -> dict:
    key = jax.random.key(seed)
    k1, k2 = jax.random.split(key)
    encoded_patches = jax.random.normal(k1, (BATCH, NUM_PATCHES, PROJ_DIM), dtype=jnp.float32)
    # Embedding table for position embeddings (keras default uniform init)
    pos_table = jax.random.uniform(k2, (NUM_PATCHES, PROJ_DIM), dtype=jnp.float32, minval=-0.05, maxval=0.05)
    return {"encoded_patches": encoded_patches, "pos_table": pos_table}

def reference(encoded_patches, pos_table):
    positions = jnp.arange(NUM_PATCHES)
    encoded_positions = jnp.take(pos_table, positions, axis=0)  # embedding lookup
    return encoded_patches + encoded_positions[None, :, :]

if __name__ == "__main__":
    import jax
    _d = setup_inputs()
    print(jax.jit(kernel)(*tuple(_d.values())))

</pallas_src>

<mosaic_0001>
#map = affine_map<(d0, d1) -> (0)>
module attributes {stable_mosaic.version = 14 : i64} {
  func.func @_sc_body(%arg0: i32, %arg1: i32, %arg2: memref<28311552xf32, #tpu.memory_space<hbm>>, %arg3: memref<442368xf32, #tpu.memory_space<hbm>>, %arg4: memref<28311552xf32, #tpu.memory_space<hbm>>, %arg5: memref<13824xf32, #tpu.memory_space<vmem>>, %arg6: memref<13824xf32, #tpu.memory_space<vmem>>, %arg7: memref<13824xf32, #tpu.memory_space<vmem>>, %arg8: memref<13824xf32, #tpu.memory_space<vmem>>, %arg9: memref<13824xf32, #tpu.memory_space<vmem>>, %arg10: memref<!tpu.dma_semaphore, #tpu.memory_space<semaphore_mem>>, %arg11: memref<!tpu.dma_semaphore, #tpu.memory_space<semaphore_mem>>, %arg12: memref<!tpu.dma_semaphore, #tpu.memory_space<semaphore_mem>>, %arg13: memref<!tpu.dma_semaphore, #tpu.memory_space<semaphore_mem>>, %arg14: memref<!tpu.dma_semaphore, #tpu.memory_space<semaphore_mem>>, %arg15: memref<!tpu.dma_semaphore, #tpu.memory_space<semaphore_mem>>, %arg16: memref<!tpu.dma_semaphore, #tpu.memory_space<semaphore_mem>>, %arg17: memref<!tpu.dma_semaphore, #tpu.memory_space<semaphore_mem>>) attributes {dimension_semantics = [#tpu.dimension_semantics<core_parallel>, #tpu.dimension_semantics<subcore_parallel>], iteration_bounds = array<i64: 2, 16>, scalar_prefetch = 0 : i64, scratch_operands = 13 : i64, tpu.core_type = #tpu.core_type<sc_vector_subcore>, window_params = [{transform_indices = #map}, {transform_indices = #map}, {transform_indices = #map}]} {
    %mul3A = arith.constant 2 : i32
    %mul3A_0 = arith.muli %arg1, %mul3A : i32
    %add3A = arith.addi %mul3A_0, %arg0 : i32
    %mul3A_1 = arith.constant 13824 : i32
    %mul3A_2 = arith.muli %add3A, %mul3A_1 : i32
    %multiple_of3A = tpu.assume_multiple %mul3A_2, 8 : i32
    "tpu.region"() ({
      %run_scoped3A = tpu.sem_alloc : memref<!tpu.dma_semaphore, #tpu.memory_space<semaphore_mem>>
      %dma_start3A_17 = tpu.memref_slice %arg3[%multiple_of3A] : memref<442368xf32, #tpu.memory_space<hbm>> -> memref<13824xf32, #tpu.memory_space<hbm>>
      %dma_start3A_18 = tpu.memref_slice %arg3[%multiple_of3A] : memref<442368xf32, #tpu.memory_space<hbm>> -> memref<13824xf32, #tpu.memory_space<hbm>>
      tpu.enqueue_dma source(%dma_start3A_18 : memref<13824xf32, #tpu.memory_space<hbm>>) target(%arg5 : memref<13824xf32, #tpu.memory_space<vmem>>) target_semaphore(%run_scoped3A : memref<!tpu.dma_semaphore, #tpu.memory_space<semaphore_mem>>)
      %dma_wait3A_19 = tpu.memref_slice %arg3[%multiple_of3A] : memref<442368xf32, #tpu.memory_space<hbm>> -> memref<13824xf32, #tpu.memory_space<hbm>>
      %dma_wait3A_20 = tpu.memref_slice %arg3[%multiple_of3A] : memref<442368xf32, #tpu.memory_space<hbm>> -> memref<13824xf32, #tpu.memory_space<hbm>>
      tpu.wait_dma2 semaphore(%run_scoped3A : memref<!tpu.dma_semaphore, #tpu.memory_space<semaphore_mem>>) src(%dma_wait3A_20 : memref<13824xf32, #tpu.memory_space<hbm>>) dst(%arg5 : memref<13824xf32, #tpu.memory_space<vmem>>)
      tpu.yield
    }) : () -> ()
    %add3A_3 = arith.constant 0 : i32
    %add3A_4 = arith.addi %add3A_3, %multiple_of3A : i32
    %multiple_of3A_5 = tpu.assume_multiple %add3A_4, 8 : i32
    %dma_start3A = tpu.memref_slice %arg2[%multiple_of3A_5] : memref<28311552xf32, #tpu.memory_space<hbm>> -> memref<13824xf32, #tpu.memory_space<hbm>>
    %dma_start3A_6 = tpu.memref_slice %arg2[%multiple_of3A_5] : memref<28311552xf32, #tpu.memory_space<hbm>> -> memref<13824xf32, #tpu.memory_space<hbm>>
    tpu.enqueue_dma source(%dma_start3A_6 : memref<13824xf32, #tpu.memory_space<hbm>>) target(%arg6 : memref<13824xf32, #tpu.memory_space<vmem>>) target_semaphore(%arg10 : memref<!tpu.dma_semaphore, #tpu.memory_space<semaphore_mem>>)
    %scan3A = arith.constant 0 : i32
    %scan3A_7 = arith.constant 0 : i32
    %scan3A_8 = arith.constant 16 : i32
    %scan3A_9 = arith.addi %scan3A_7, %scan3A_8 : i32
    %scan3A_10 = arith.constant 1 : i32
    scf.for %scan3A_17 = %scan3A_7 to %scan3A_9 step %scan3A_10  : i32 {
      %mul3A_18 = arith.constant 4 : i32
      %mul3A_19 = arith.muli %scan3A_17, %mul3A_18 : i32
      %add3A_20 = arith.constant 0 : i32
      %add3A_21 = arith.addi %mul3A_19, %add3A_20 : i32
      %ge3A = arith.constant 3 : i32
      %ge3A_22 = arith.cmpi sge, %add3A_21, %ge3A : i32
      %convert_element_type3A = arith.extui %ge3A_22 : i1 to i32
      %cond3A = arith.constant 0 : i32
      %cond3A_23 = arith.cmpi ne, %convert_element_type3A, %cond3A : i32
      scf.if %cond3A_23 {
        %dma_wait3A_102 = tpu.memref_slice %arg4[%multiple_of3A] : memref<28311552xf32, #tpu.memory_space<hbm>> -> memref<13824xf32, #tpu.memory_space<hbm>>
        %dma_wait3A_103 = tpu.memref_slice %arg4[%multiple_of3A] : memref<28311552xf32, #tpu.memory_space<hbm>> -> memref<13824xf32, #tpu.memory_space<hbm>>
        tpu.wait_dma2 semaphore(%arg15 : memref<!tpu.dma_semaphore, #tpu.memory_space<semaphore_mem>>) src(%arg7 : memref<13824xf32, #tpu.memory_space<vmem>>) dst(%dma_wait3A_103 : memref<13824xf32, #tpu.memory_space<hbm>>)
      } else {
      }
      %lt3A = arith.constant 63 : i32
      %lt3A_24 = arith.cmpi slt, %add3A_21, %lt3A : i32
      %convert_element_type3A_25 = arith.extui %lt3A_24 : i1 to i32
      %cond3A_26 = arith.constant 0 : i32
      %cond3A_27 = arith.cmpi ne, %convert_element_type3A_25, %cond3A_26 : i32
      scf.if %cond3A_27 {
        %add3A_102 = arith.constant 1 : i32
        %add3A_103 = arith.addi %add3A_21, %add3A_102 : i32
        %mul3A_104 = arith.constant 442368 : i32
        %mul3A_105 = arith.muli %add3A_103, %mul3A_104 : i32
        %add3A_106 = arith.addi %mul3A_105, %multiple_of3A : i32
        %multiple_of3A_107 = tpu.assume_multiple %add3A_106, 8 : i32
        %dma_start3A_108 = tpu.memref_slice %arg2[%multiple_of3A_107] : memref<28311552xf32, #tpu.memory_space<hbm>> -> memref<13824xf32, #tpu.memory_space<hbm>>
        %dma_start3A_109 = tpu.memref_slice %arg2[%multiple_of3A_107] : memref<28311552xf32, #tpu.memory_space<hbm>> -> memref<13824xf32, #tpu.memory_space<hbm>>
        tpu.enqueue_dma source(%dma_start3A_109 : memref<13824xf32, #tpu.memory_space<hbm>>) target(%arg7 : memref<13824xf32, #tpu.memory_space<vmem>>) target_semaphore(%arg11 : memref<!tpu.dma_semaphore, #tpu.memory_space<semaphore_mem>>)
      } else {
      }
      %dma_wait3A_28 = tpu.memref_slice %arg2[%multiple_of3A] : memref<28311552xf32, #tpu.memory_space<hbm>> -> memref<13824xf32, #tpu.memory_space<hbm>>
      %dma_wait3A_29 = tpu.memref_slice %arg2[%multiple_of3A] : memref<28311552xf32, #tpu.memory_space<hbm>> -> memref<13824xf32, #tpu.memory_space<hbm>>
      tpu.wait_dma2 semaphore(%arg10 : memref<!tpu.dma_semaphore, #tpu.memory_space<semaphore_mem>>) src(%dma_wait3A_29 : memref<13824xf32, #tpu.memory_space<hbm>>) dst(%arg6 : memref<13824xf32, #tpu.memory_space<vmem>>)
      %mul3A_30 = arith.constant 442368 : i32
      %mul3A_31 = arith.muli %add3A_21, %mul3A_30 : i32
      %add3A_32 = arith.addi %mul3A_31, %multiple_of3A : i32
      %multiple_of3A_33 = tpu.assume_multiple %add3A_32, 8 : i32
      %dma_start3A_34 = tpu.memref_slice %arg4[%multiple_of3A_33] : memref<28311552xf32, #tpu.memory_space<hbm>> -> memref<13824xf32, #tpu.memory_space<hbm>>
      %dma_start3A_35 = tpu.memref_slice %arg4[%multiple_of3A_33] : memref<28311552xf32, #tpu.memory_space<hbm>> -> memref<13824xf32, #tpu.memory_space<hbm>>
      tpu.enqueue_dma source(%arg6 : memref<13824xf32, #tpu.memory_space<vmem>>) target(%dma_start3A_35 : memref<13824xf32, #tpu.memory_space<hbm>>) target_semaphore(%arg14 : memref<!tpu.dma_semaphore, #tpu.memory_space<semaphore_mem>>)
      %mul3A_36 = arith.constant 4 : i32
      %mul3A_37 = arith.muli %scan3A_17, %mul3A_36 : i32
      %add3A_38 = arith.constant 1 : i32
      %add3A_39 = arith.addi %mul3A_37, %add3A_38 : i32
      %ge3A_40 = arith.constant 3 : i32
      %ge3A_41 = arith.cmpi sge, %add3A_39, %ge3A_40 : i32
      %convert_element_type3A_42 = arith.extui %ge3A_41 : i1 to i32
      %cond3A_43 = arith.constant 0 : i32
      %cond3A_44 = arith.cmpi ne, %convert_element_type3A_42, %cond3A_43 : i32
      scf.if %cond3A_44 {
        %dma_wait3A_102 = tpu.memref_slice %arg4[%multiple_of3A] : memref<28311552xf32, #tpu.memory_space<hbm>> -> memref<13824xf32, #tpu.memory_space<hbm>>
        %dma_wait3A_103 = tpu.memref_slice %arg4[%multiple_of3A] : memref<28311552xf32, #tpu.memory_space<hbm>> -> memref<13824xf32, #tpu.memory_space<hbm>>
        tpu.wait_dma2 semaphore(%arg16 : memref<!tpu.dma_semaphore, #tpu.memory_space<semaphore_mem>>) src(%arg8 : memref<13824xf32, #tpu.memory_space<vmem>>) dst(%dma_wait3A_103 : memref<13824xf32, #tpu.memory_space<hbm>>)
      } else {
      }
      %lt3A_45 = arith.constant 63 : i32
      %lt3A_46 = arith.cmpi slt, %add3A_39, %lt3A_45 : i32
      %convert_element_type3A_47 = arith.extui %lt3A_46 : i1 to i32
      %cond3A_48 = arith.constant 0 : i32
      %cond3A_49 = arith.cmpi ne, %convert_element_type3A_47, %cond3A_48 : i32
      scf.if %cond3A_49 {
        %add3A_102 = arith.constant 1 : i32
        %add3A_103 = arith.addi %add3A_39, %add3A_102 : i32
        %mul3A_104 = arith.constant 442368 : i32
        %mul3A_105 = arith.muli %add3A_103, %mul3A_104 : i32
        %add3A_106 = arith.addi %mul3A_105, %multiple_of3A : i32
        %multiple_of3A_107 = tpu.assume_multiple %add3A_106, 8 : i32
        %dma_start3A_108 = tpu.memref_slice %arg2[%multiple_of3A_107] : memref<28311552xf32, #tpu.memory_space<hbm>> -> memref<13824xf32, #tpu.memory_space<hbm>>
        %dma_start3A_109 = tpu.memref_slice %arg2[%multiple_of3A_107] : memref<28311552xf32, #tpu.memory_space<hbm>> -> memref<13824xf32, #tpu.memory_space<hbm>>
        tpu.enqueue_dma source(%dma_start3A_109 : memref<13824xf32, #tpu.memory_space<hbm>>) target(%arg8 : memref<13824xf32, #tpu.memory_space<vmem>>) target_semaphore(%arg12 : memref<!tpu.dma_semaphore, #tpu.memory_space<semaphore_mem>>)
      } else {
      }
      %dma_wait3A_50 = tpu.memref_slice %arg2[%multiple_of3A] : memref<28311552xf32, #tpu.memory_space<hbm>> -> memref<13824xf32, #tpu.memory_space<hbm>>
      %dma_wait3A_51 = tpu.memref_slice %arg2[%multiple_of3A] : memref<28311552xf32, #tpu.memory_space<hbm>> -> memref<13824xf32, #tpu.memory_space<hbm>>
      tpu.wait_dma2 semaphore(%arg11 : memref<!tpu.dma_semaphore, #tpu.memory_space<semaphore_mem>>) src(%dma_wait3A_51 : memref<13824xf32, #tpu.memory_space<hbm>>) dst(%arg7 : memref<13824xf32, #tpu.memory_space<vmem>>)
      %mul3A_52 = arith.constant 442368 : i32
      %mul3A_53 = arith.muli %add3A_39, %mul3A_52 : i32
      %add3A_54 = arith.addi %mul3A_53, %multiple_of3A : i32
      %multiple_of3A_55 = tpu.assume_multiple %add3A_54, 8 : i32
      %dma_start3A_56 = tpu.memref_slice %arg4[%multiple_of3A_55] : memref<28311552xf32, #tpu.memory_space<hbm>> -> memref<13824xf32, #tpu.memory_space<hbm>>
      %dma_start3A_57 = tpu.memref_slice %arg4[%multiple_of3A_55] : memref<28311552xf32, #tpu.memory_space<hbm>> -> memref<13824xf32, #tpu.memory_space<hbm>>
      tpu.enqueue_dma source(%arg7 : memref<13824xf32, #tpu.memory_space<vmem>>) target(%dma_start3A_57 : memref<13824xf32, #tpu.memory_space<hbm>>) target_semaphore(%arg15 : memref<!tpu.dma_semaphore, #tpu.memory_space<semaphore_mem>>)
      %mul3A_58 = arith.constant 4 : i32
      %mul3A_59 = arith.muli %scan3A_17, %mul3A_58 : i32
      %add3A_60 = arith.constant 2 : i32
      %add3A_61 = arith.addi %mul3A_59, %add3A_60 : i32
      %ge3A_62 = arith.constant 3 : i32
      %ge3A_63 = arith.cmpi sge, %add3A_61, %ge3A_62 : i32
      %convert_element_type3A_64 = arith.extui %ge3A_63 : i1 to i32
      %cond3A_65 = arith.constant 0 : i32
      %cond3A_66 = arith.cmpi ne, %convert_element_type3A_64, %cond3A_65 : i32
      scf.if %cond3A_66 {
        %dma_wait3A_102 = tpu.memref_slice %arg4[%multiple_of3A] : memref<28311552xf32, #tpu.memory_space<hbm>> -> memref<13824xf32, #tpu.memory_space<hbm>>
        %dma_wait3A_103 = tpu.memref_slice %arg4[%multiple_of3A] : memref<28311552xf32, #tpu.memory_space<hbm>> -> memref<13824xf32, #tpu.memory_space<hbm>>
        tpu.wait_dma2 semaphore(%arg17 : memref<!tpu.dma_semaphore, #tpu.memory_space<semaphore_mem>>) src(%arg9 : memref<13824xf32, #tpu.memory_space<vmem>>) dst(%dma_wait3A_103 : memref<13824xf32, #tpu.memory_space<hbm>>)
      } else {
      }
      %lt3A_67 = arith.constant 63 : i32
      %lt3A_68 = arith.cmpi slt, %add3A_61, %lt3A_67 : i32
      %convert_element_type3A_69 = arith.extui %lt3A_68 : i1 to i32
      %cond3A_70 = arith.constant 0 : i32
      %cond3A_71 = arith.cmpi ne, %convert_element_type3A_69, %cond3A_70 : i32
      scf.if %cond3A_71 {
        %add3A_102 = arith.constant 1 : i32
        %add3A_103 = arith.addi %add3A_61, %add3A_102 : i32
        %mul3A_104 = arith.constant 442368 : i32
        %mul3A_105 = arith.muli %add3A_103, %mul3A_104 : i32
        %add3A_106 = arith.addi %mul3A_105, %multiple_of3A : i32
        %multiple_of3A_107 = tpu.assume_multiple %add3A_106, 8 : i32
        %dma_start3A_108 = tpu.memref_slice %arg2[%multiple_of3A_107] : memref<28311552xf32, #tpu.memory_space<hbm>> -> memref<13824xf32, #tpu.memory_space<hbm>>
        %dma_start3A_109 = tpu.memref_slice %arg2[%multiple_of3A_107] : memref<28311552xf32, #tpu.memory_space<hbm>> -> memref<13824xf32, #tpu.memory_space<hbm>>
        tpu.enqueue_dma source(%dma_start3A_109 : memref<13824xf32, #tpu.memory_space<hbm>>) target(%arg9 : memref<13824xf32, #tpu.memory_space<vmem>>) target_semaphore(%arg13 : memref<!tpu.dma_semaphore, #tpu.memory_space<semaphore_mem>>)
      } else {
      }
      %dma_wait3A_72 = tpu.memref_slice %arg2[%multiple_of3A] : memref<28311552xf32, #tpu.memory_space<hbm>> -> memref<13824xf32, #tpu.memory_space<hbm>>
      %dma_wait3A_73 = tpu.memref_slice %arg2[%multiple_of3A] : memref<28311552xf32, #tpu.memory_space<hbm>> -> memref<13824xf32, #tpu.memory_space<hbm>>
      tpu.wait_dma2 semaphore(%arg12 : memref<!tpu.dma_semaphore, #tpu.memory_space<semaphore_mem>>) src(%dma_wait3A_73 : memref<13824xf32, #tpu.memory_space<hbm>>) dst(%arg8 : memref<13824xf32, #tpu.memory_space<vmem>>)
      %mul3A_74 = arith.constant 442368 : i32
      %mul3A_75 = arith.muli %add3A_61, %mul3A_74 : i32
      %add3A_76 = arith.addi %mul3A_75, %multiple_of3A : i32
      %multiple_of3A_77 = tpu.assume_multiple %add3A_76, 8 : i32
      %dma_start3A_78 = tpu.memref_slice %arg4[%multiple_of3A_77] : memref<28311552xf32, #tpu.memory_space<hbm>> -> memref<13824xf32, #tpu.memory_space<hbm>>
      %dma_start3A_79 = tpu.memref_slice %arg4[%multiple_of3A_77] : memref<28311552xf32, #tpu.memory_space<hbm>> -> memref<13824xf32, #tpu.memory_space<hbm>>
      tpu.enqueue_dma source(%arg8 : memref<13824xf32, #tpu.memory_space<vmem>>) target(%dma_start3A_79 : memref<13824xf32, #tpu.memory_space<hbm>>) target_semaphore(%arg16 : memref<!tpu.dma_semaphore, #tpu.memory_space<semaphore_mem>>)
      %mul3A_80 = arith.constant 4 : i32
      %mul3A_81 = arith.muli %scan3A_17, %mul3A_80 : i32
      %add3A_82 = arith.constant 3 : i32
      %add3A_83 = arith.addi %mul3A_81, %add3A_82 : i32
      %ge3A_84 = arith.constant 3 : i32
      %ge3A_85 = arith.cmpi sge, %add3A_83, %ge3A_84 : i32
      %convert_element_type3A_86 = arith.extui %ge3A_85 : i1 to i32
      %cond3A_87 = arith.constant 0 : i32
      %cond3A_88 = arith.cmpi ne, %convert_element_type3A_86, %cond3A_87 : i32
      scf.if %cond3A_88 {
        %dma_wait3A_102 = tpu.memref_slice %arg4[%multiple_of3A] : memref<28311552xf32, #tpu.memory_space<hbm>> -> memref<13824xf32, #tpu.memory_space<hbm>>
        %dma_wait3A_103 = tpu.memref_slice %arg4[%multiple_of3A] : memref<28311552xf32, #tpu.memory_space<hbm>> -> memref<13824xf32, #tpu.memory_space<hbm>>
        tpu.wait_dma2 semaphore(%arg14 : memref<!tpu.dma_semaphore, #tpu.memory_space<semaphore_mem>>) src(%arg6 : memref<13824xf32, #tpu.memory_space<vmem>>) dst(%dma_wait3A_103 : memref<13824xf32, #tpu.memory_space<hbm>>)
      } else {
      }
      %lt3A_89 = arith.constant 63 : i32
      %lt3A_90 = arith.cmpi slt, %add3A_83, %lt3A_89 : i32
      %convert_element_type3A_91 = arith.extui %lt3A_90 : i1 to i32
      %cond3A_92 = arith.constant 0 : i32
      %cond3A_93 = arith.cmpi ne, %convert_element_type3A_91, %cond3A_92 : i32
      scf.if %cond3A_93 {
        %add3A_102 = arith.constant 1 : i32
        %add3A_103 = arith.addi %add3A_83, %add3A_102 : i32
        %mul3A_104 = arith.constant 442368 : i32
        %mul3A_105 = arith.muli %add3A_103, %mul3A_104 : i32
        %add3A_106 = arith.addi %mul3A_105, %multiple_of3A : i32
        %multiple_of3A_107 = tpu.assume_multiple %add3A_106, 8 : i32
        %dma_start3A_108 = tpu.memref_slice %arg2[%multiple_of3A_107] : memref<28311552xf32, #tpu.memory_space<hbm>> -> memref<13824xf32, #tpu.memory_space<hbm>>
        %dma_start3A_109 = tpu.memref_slice %arg2[%multiple_of3A_107] : memref<28311552xf32, #tpu.memory_space<hbm>> -> memref<13824xf32, #tpu.memory_space<hbm>>
        tpu.enqueue_dma source(%dma_start3A_109 : memref<13824xf32, #tpu.memory_space<hbm>>) target(%arg6 : memref<13824xf32, #tpu.memory_space<vmem>>) target_semaphore(%arg10 : memref<!tpu.dma_semaphore, #tpu.memory_space<semaphore_mem>>)
      } else {
      }
      %dma_wait3A_94 = tpu.memref_slice %arg2[%multiple_of3A] : memref<28311552xf32, #tpu.memory_space<hbm>> -> memref<13824xf32, #tpu.memory_space<hbm>>
      %dma_wait3A_95 = tpu.memref_slice %arg2[%multiple_of3A] : memref<28311552xf32, #tpu.memory_space<hbm>> -> memref<13824xf32, #tpu.memory_space<hbm>>
      tpu.wait_dma2 semaphore(%arg13 : memref<!tpu.dma_semaphore, #tpu.memory_space<semaphore_mem>>) src(%dma_wait3A_95 : memref<13824xf32, #tpu.memory_space<hbm>>) dst(%arg9 : memref<13824xf32, #tpu.memory_space<vmem>>)
      %mul3A_96 = arith.constant 442368 : i32
      %mul3A_97 = arith.muli %add3A_83, %mul3A_96 : i32
      %add3A_98 = arith.addi %mul3A_97, %multiple_of3A : i32
      %multiple_of3A_99 = tpu.assume_multiple %add3A_98, 8 : i32
      %dma_start3A_100 = tpu.memref_slice %arg4[%multiple_of3A_99] : memref<28311552xf32, #tpu.memory_space<hbm>> -> memref<13824xf32, #tpu.memory_space<hbm>>
      %dma_start3A_101 = tpu.memref_slice %arg4[%multiple_of3A_99] : memref<28311552xf32, #tpu.memory_space<hbm>> -> memref<13824xf32, #tpu.memory_space<hbm>>
      tpu.enqueue_dma source(%arg9 : memref<13824xf32, #tpu.memory_space<vmem>>) target(%dma_start3A_101 : memref<13824xf32, #tpu.memory_space<hbm>>) target_semaphore(%arg17 : memref<!tpu.dma_semaphore, #tpu.memory_space<semaphore_mem>>)
    }
    %scan3A_11 = arith.constant 16 : i32
    %dma_wait3A = tpu.memref_slice %arg4[%multiple_of3A] : memref<28311552xf32, #tpu.memory_space<hbm>> -> memref<13824xf32, #tpu.memory_space<hbm>>
    %dma_wait3A_12 = tpu.memref_slice %arg4[%multiple_of3A] : memref<28311552xf32, #tpu.memory_space<hbm>> -> memref<13824xf32, #tpu.memory_space<hbm>>
    tpu.wait_dma2 semaphore(%arg15 : memref<!tpu.dma_semaphore, #tpu.memory_space<semaphore_mem>>) src(%arg7 : memref<13824xf32, #tpu.memory_space<vmem>>) dst(%dma_wait3A_12 : memref<13824xf32, #tpu.memory_space<hbm>>)
    %dma_wait3A_13 = tpu.memref_slice %arg4[%multiple_of3A] : memref<28311552xf32, #tpu.memory_space<hbm>> -> memref<13824xf32, #tpu.memory_space<hbm>>
    %dma_wait3A_14 = tpu.memref_slice %arg4[%multiple_of3A] : memref<28311552xf32, #tpu.memory_space<hbm>> -> memref<13824xf32, #tpu.memory_space<hbm>>
    tpu.wait_dma2 semaphore(%arg16 : memref<!tpu.dma_semaphore, #tpu.memory_space<semaphore_mem>>) src(%arg8 : memref<13824xf32, #tpu.memory_space<vmem>>) dst(%dma_wait3A_14 : memref<13824xf32, #tpu.memory_space<hbm>>)
    %dma_wait3A_15 = tpu.memref_slice %arg4[%multiple_of3A] : memref<28311552xf32, #tpu.memory_space<hbm>> -> memref<13824xf32, #tpu.memory_space<hbm>>
    %dma_wait3A_16 = tpu.memref_slice %arg4[%multiple_of3A] : memref<28311552xf32, #tpu.memory_space<hbm>> -> memref<13824xf32, #tpu.memory_space<hbm>>
    tpu.wait_dma2 semaphore(%arg17 : memref<!tpu.dma_semaphore, #tpu.memory_space<semaphore_mem>>) src(%arg9 : memref<13824xf32, #tpu.memory_space<vmem>>) dst(%dma_wait3A_16 : memref<13824xf32, #tpu.memory_space<hbm>>)
    return
  }
}

</mosaic_0001>

<sc_bundles>
// kernel: kernel.3.cloned.1.call-start
scs
__scs_entry_jumppad:
0x0: {  	(pc) =	sbr.rel $0x88, $3  }
0x1: {  	(tag) =	ssettag $0x0;
	lr =	simm.s32 $0x1  }
0x2: {  	[smem:$0x3F9F] =	sst lr;
	_ =	strace $0xD0000000  }
0x3: {  	_ = 	snop  }
0x4: {  	_ = 	snop  }
0x5: {  	_ = 	snop  }
0x6: {  	_ = 	snop  }
0x7: {  	_ = 	snop  }
__scs_overlays_trampoline_lowered:
0x8: {  	[smem:$0x3FAE] =	sst s0  }
0x9: {  	[smem:$0x3FAF] =	sst s1  }
0xa: {  	[smem:$0x3FB0] =	sst s2  }
0xb: {  	[smem:$0x3FB1] =	sst s3  }
0xc: {  	[smem:$0x3FB2] =	sst s4  }
0xd: {  	[smem:$0x3FB3] =	sst s5  }
0xe: {  	[smem:$0x3FB4] =	sst s6  }
0xf: {  	[smem:$0x3FB5] =	sst s7  }
0x10: {  	[smem:$0x3FB6] =	sst s8  }
0x11: {  	[smem:$0x3FB7] =	sst s9;
	s0 =	simm.s32 @!p0 $0x0  }
0x12: {  	s1 =	sld [smem:$0x3F9D];
	s0 =	simm.s32 @p0 $0x1  }
0x13: {  	[smem:$0x3FB8] =	sst s0;
	s0 =	simm.s32 @!p1 $0x0  }
0x14: {  	s2 =	sld [smem:$0x3F9C];
	s0 =	simm.s32 @p1 $0x1  }
0x15: {  	[smem:$0x3FB9] =	sst s0;
	s0 =	simm.s32 @!p2 $0x0  }
0x16: {  	s3 =	sld [smem:$0x3FDB];
	s0 =	simm.s32 @p2 $0x1  }
0x17: {  	s4 =	simm.s32 $0x1BF5;
	[smem:$0x3FBB] =	sst s0  }
0x18: {  	s0 =	sld [smem:$0x3F9E];
	_ =	swait.ge [sflag:s4], $0x0  }
0x19: {  	s7 =	sld [smem:$0x3F9F]  }
0x1a: {  	s8 =	sadd.s32 $0xFFFFE003, lr  }
0x1b: {  	s9 =	sadd.s32 $0xFFFFFEF7, lr;
	s5 =	simm.s32 $0xFFFFFFFF;
	p2 =	slt.u32 s8, $0xFFFFF086  }
0x1c: {  	p1 =	slt.u32 s9, $0xF7A;
	s5 =	simm.s32 @!p2 $0x0  }
0x1d: {  	s5 =	simm.s32 @p1 $0x1;
	p0 =	seq.s32 s7, s2  }
0x1e: {  	s7 =	smul.u32 @!p0 $0xF7A, s2;
	p2 =	seq.s32 @!p0 s5, $0x0  }
0x1f: {  	s9 =	smul.u32 $0xF7A, s1;
	s8 =	simm.s32 @!p0 $0x1BF5;
	p2 =	por !p2, p0  }
0x20: {  	[sflag:s8] =	ssyncset.s32 @!p0 $0xFFFFF086;
	s6 =	sadd.s32 @!p0 s3, s7;
	s7 =	simm.s32 @!p0 $0x108  }
0x21: {  	s3 =	sadd.s32 s3, s9;
	s6 =	sadd.s32 @!p0 $0x88, s6;
	s7 =	simm.s32 @p2 $0x1082  }
0x22: {  	[simem:s7], [sflag:s8] =	dma.local @!p0 [hbm:s6], $0xF7A  }
0x23: {  	s9 =	sor.u32 $0xD0000000, s2;
	s6 =	simm.s32 $0x108;
	_ =	swait.ge @!p0 [sflag:s8], $0x0  }
0x24: {  	s3 =	sadd.s32 $0x88, s3;
	s6 =	simm.s32 @!p1 $0x1082;
	[sflag:s4] =	ssyncset.s32 $0xFFFFF086  }
0x25: {  	[simem:s6], [sflag:s4] =	dma.local [hbm:s3], $0xF7A  }
0x26: {  	[smem:$0x3F9F] =	sst s1;
	(tag) =	ssettag s2;
	_ =	strace s9  }
0x27: {  	s1 =	sld [smem:$0x3FAF]  }
0x28: {  	s2 =	sld [smem:$0x3FB0]  }
0x29: {  	s4 =	sld [smem:$0x3FB2]  }
0x2a: {  	p0 =	seq.s32 s5, $0x0;
	s5 =	sld [smem:$0x3FB3]  }
0x2b: {  	s6 =	sld [smem:$0x3FB4]  }
0x2c: {  	s7 =	sld [smem:$0x3FB5]  }
0x2d: {  	s3 =	simm.s32 $0x108;
	s8 =	sld [smem:$0x3FB6]  }
0x2e: {  	s3 =	simm.s32 @!p0 $0x1082;
	s9 =	sld [smem:$0x3FB7]  }
0x2f: {  	lr =	sadd.s32 s0, s3;
	s0 =	sld [smem:$0x3FAE]  }
0x30: {  	s3 =	sld [smem:$0x3FB1]  }
0x31: {  	[smem:$0x3FBA] =	sst s10  }
0x32: {  	s10 =	sld [smem:$0x3FB8];
	_ =	sdelay $0x3  }
0x33: {  	p0 =	seq.s32 s10, $0x1;
	s10 =	sld [smem:$0x3FBA];
	_ =	sdelay $0x3  }
0x34: {  	[smem:$0x3FBA] =	sst s10  }
0x35: {  	s10 =	sld [smem:$0x3FB9];
	_ =	sdelay $0x3  }
0x36: {  	p1 =	seq.s32 s10, $0x1;
	s10 =	sld [smem:$0x3FBA];
	_ =	sdelay $0x3  }
0x37: {  	[smem:$0x3FBA] =	sst s10  }
0x38: {  	s10 =	sld [smem:$0x3FBB]  }
0x39: {  	_ = 	snop;
	(pc) =	sbr.ind lr, $3  }
0x3a: {  	_ = 	snop  }
0x3b: {  	_ = 	snop  }
0x3c: {  	p2 =	seq.s32 s10, $0x1;
	s10 =	sld [smem:$0x3FBA]  }
0x3d: {  	_ =	shalt  }
0x3e: {  	_ =	shalt  }
0x3f: {  	_ =	shalt  }
0x40: {  	_ =	shalt  }
0x41: {  	_ =	shalt  }
0x42: {  	_ =	shalt  }
0x43: {  	_ =	shalt  }
0x44: {  	_ =	shalt  }
0x45: {  	_ =	shalt  }
0x46: {  	_ =	shalt  }
0x47: {  	_ =	shalt  }
0x48: {  	_ =	shalt  }
0x49: {  	_ =	shalt  }
0x4a: {  	_ =	shalt  }
0x4b: {  	_ =	shalt  }
0x4c: {  	_ =	shalt  }
0x4d: {  	_ =	shalt  }
0x4e: {  	_ =	shalt  }
0x4f: {  	_ =	shalt  }
0x50: {  	_ =	shalt  }
0x51: {  	_ =	shalt  }
0x52: {  	_ =	shalt  }
0x53: {  	_ =	shalt  }
0x54: {  	_ =	shalt  }
0x55: {  	_ =	shalt  }
0x56: {  	_ =	shalt  }
0x57: {  	_ =	shalt  }
0x58: {  	_ =	shalt  }
0x59: {  	_ =	shalt  }
0x5a: {  	_ =	shalt  }
0x5b: {  	_ =	shalt  }
0x5c: {  	_ =	shalt  }
0x5d: {  	_ =	shalt  }
0x5e: {  	_ =	shalt  }
0x5f: {  	_ =	shalt  }
0x60: {  	_ =	shalt  }
0x61: {  	_ =	shalt  }
0x62: {  	_ =	shalt  }
0x63: {  	_ =	shalt  }
0x64: {  	_ =	shalt  }
0x65: {  	_ =	shalt  }
0x66: {  	_ =	shalt  }
0x67: {  	_ =	shalt  }
0x68: {  	_ =	shalt  }
0x69: {  	_ =	shalt  }
0x6a: {  	_ =	shalt  }
0x6b: {  	_ =	shalt  }
0x6c: {  	_ =	shalt  }
0x6d: {  	_ =	shalt  }
0x6e: {  	_ =	shalt  }
0x6f: {  	_ =	shalt  }
0x70: {  	_ =	shalt  }
0x71: {  	_ =	shalt  }
0x72: {  	_ =	shalt  }
0x73: {  	_ =	shalt  }
0x74: {  	_ =	shalt  }
0x75: {  	_ =	shalt  }
0x76: {  	_ =	shalt  }
0x77: {  	_ =	shalt  }
0x78: {  	_ =	shalt  }
0x79: {  	_ =	shalt  }
0x7a: {  	_ =	shalt  }
0x7b: {  	_ =	shalt  }
0x7c: {  	_ =	shalt  }
0x7d: {  	_ =	shalt  }
0x7e: {  	_ =	shalt  }
0x7f: {  	_ =	shalt  }
0x80: {  	_ =	shalt  }
0x81: {  	_ =	shalt  }
0x82: {  	_ =	shalt  }
0x83: {  	_ =	shalt  }
0x84: {  	_ =	shalt  }
0x85: {  	_ =	shalt  }
0x86: {  	_ =	shalt  }
0x87: {  	_ =	shalt  }
.Lfunc_end0:
.L_simem_size_0:
called_computation_lowered:
.L_overlay_start_0:
0x88: {  	s2 =	sld [smem:$0x3FD9]  }
0x89: {  	s3 =	sld [smem:$0x3FFE];
	_ =	sdelay $0x1  }
0x8a: {  	s1 =	srdreg.scid  }
0x8b: {  	s0 =	sand.u32 $0x1, s1  }
0x8c: {  	s17 =	sshll.u32 s0, $0xA;
	s2 =	sadd.s32 s3, s2  }
0x8d: {  	s2 =	sadd.s32 s2, s17  }
0x8e: {  	[smem:$0x3FC6] =	sst s2  }
0x8f: {  	_ = 	snop  }
0x90: {  	s2 =	sld [smem:$0x3FD0];
	(tm) =	ssettm $0x1  }
0x91: {  	s18 =	sld [smem:$0x3FFB];
	_ =	sdelay $0x3  }
0x92: {  	_ =	strace s18  }
0x93: {  	s3 =	sld [smem:$0x3FFC];
	_ =	sdelay $0x3  }
0x94: {  	_ =	strace s3  }
0x95: {  	s3 =	sld [smem:$0x3FFD];
	_ =	sdelay $0x3  }
0x96: {  	_ =	strace s3  }
0x97: {  	_ =	strace $0x8FFFFFFF  }
0x98: {  	s19 =	sld [smem:$0x3FDB];
	_ =	sdelay $0x1  }
0x99: {  	s4 =	simm.s32 $_scs_section_size  }
0x9a: {  	s5 =	simm.s32 $_size__tile_overlayer_lowered;
	s6 =	simm.s32 $_tile_overlayer_lowered  }
0x9b: {  	s22 =	simm.s32 $0x1BFF;
	s21 =	sshll.u32 s6, $0x1;
	s3 =	sadd.s32 s4, s19  }
0x9c: {  	s7 =	simm.s32 $0x0;
	s20 =	sshll.u32 s5, $0x1;
	s5 =	sadd.s32 s21, s3  }
0x9d: {  	[timem:s7], [sflag:s22] =	dma.local [hbm:s5], s20  }
0x9e: {  	_ =	swait.ge [sflag:s22], s20  }
0x9f: {  	s4 =	ssub.s32 $0x0, s20;
	[sflag:s22] =	ssyncset.done $0x0  }
0xa0: {  	[sflag:s22] =	ssyncadd.s32 s4;
	_ =	sdelay $0x1  }
0xa1: {  	s23 =	simm.s32 $0x1B8B  }
0xa2: {  	_ =	swait.ge [sflag:s23], $0x1  }
0xa3: {  	[sflag:s23] =	ssyncset.done $0x0  }
0xa4: {  	s25 =	simm.s32 $0x1B8E;
	s24 =	sld [smem:$0x3FFE];
	[sflag:s23] =	ssyncadd.s32 $0xFFFFFFFF  }
0xa5: {  	s26 =	simm.s32 $execute0_lowered;
	[smem:$0x3FD2] =	sst s25  }
0xa6: {  	s5 =	sshll.u32 s26, $0x1;
	_ =	strace $0x80000046;
	[dreg:$0x1] =	wrdreg $0xFFFFFFFF  }
0xa7: {  	s28 =	simm.s32 $_size_execute0_lowered;
	s3 =	sadd.s32 s3, s5;
	[dreg:$0x0] =	wrdreg $0x0  }
0xa8: {  	s5 =	sshll.u32 s28, $0x1;
	[dreg:$0x2] =	wrdreg s3  }
0xa9: {  	[dreg:$0x3] =	wrdreg s5  }
0xaa: {  	[dreg:$0x4] =	wrdreg $0xC0  }
0xab: {  	_ =	task [dreg:s7], $0x5FFFF  }
0xac: {  	[dreg:$0x1] =	wrdreg $0xFFFFFFFF  }
0xad: {  	[dreg:$0x0] =	wrdreg $0x60  }
0xae: {  	[dreg:$0x2] =	wrdreg s2  }
0xaf: {  	[dreg:$0x3] =	wrdreg s24  }
0xb0: {  	[dreg:$0x4] =	wrdreg $0x9  }
0xb1: {  	_ =	task.clear_ibuf [dreg:s7], $0x5FFFF;
	_ =	strace $0x90000046  }
0xb2: {  	s29 =	simm.s32 $0x9;
	_ =	strace $0x80000048  }
0xb3: {  	_ =	swait.ge [sflag:s29], $0x1  }
0xb4: {  	[sflag:s29] =	ssyncadd.s32 $0xFFFFFFFF  }
0xb5: {  	_ =	strace $0x90000048  }
0xb6: {  	_ =	sfence  }
0xb7: {  	s30 =	sld [smem:$0x0];
	_ =	sdelay $0x2  }
0xb8: {  	s31 =	sshll.u32 s1, $0xD;
	s1 =	sshrl.u32 s1, $0x2  }
0xb9: {  	s3 =	sand.u32 $0x4000, s31;
	s1 =	sadd.s32 s1, s30  }
0xba: {  	s0 =	sor.u32 s3, s0;
	s1 =	sshll.u32 s1, $0x11  }
0xbb: {  	s0 =	sor.u32 s1, s0  }
0xbc: {  	s0 =	sadd.s32 $0x8F2B, s0  }
0xbd: {  	[sflag:s0] =	ssyncadd.remote.s32 $0x1  }
0xbe: {  	_ =	sfence.sel $0xFFFF  }
0xbf: {  	[dreg:$0x0] =	wrdreg $0xFFFFFFFF;
	(pc) =	sbr.abs _section_cstart, $3  }
0xc0: {  	[dreg:$0x1] =	wrdreg $0xFFFFFFFF  }
0xc1: {  	_ =	task.clear_ibuf [dreg:s7], $0x2FFFF;
	_ =	strace $0x9FFFFFFF  }
0xc2: {  	(tm) =	ssettm $0x7FFFFFFF  }
0xc3: {  	_ =	shalt  }
tec
execute0_lowered:
.L_overlay_start_1:
0x0: {  	(tag) =	ssettag $0x1  }
0x1: {  	s1 =	srdreg.scid;
	s2 =	rddreg [dreg:$0x0]  }
0x2: {  	s0 =	stileid.u32;
	s5 =	rddreg [dreg:$0x1];
	s3 =	simm.s32 $0x0  }
0x3: {  	s14 =	simm.s32 $0x1;
	s15 =	simm.s32 $0xA200;
	s16 =	simm.s32 $0x2  }
0x4: {  	s17 =	simm.s32 $0xD800;
	s18 =	simm.s32 $0x3;
	s19 =	simm.s32 $0x5  }
0x5: {  	s20 =	simm.s32 $0x4;
	s21 =	simm.s32 $0x6;
	s22 =	simm.s32 $0x7  }
0x6: {  	s23 =	simm.s32 $0x8;
	s4 =	sand.u32 $0x1, s1;
	s24 =	sshll.u32 s0, $0x1  }
0x7: {  	[smem:$0x7FF] =	sst s3;
	s7 =	smul.u32 $0x6C00, s0;
	s11 =	sadd.s32 $0xDC00, s5  }
0x8: {  	s6 =	sor.u32 s4, s24;
	s8 =	ssub.s32 $0x2, s4;
	s4 =	smul.u32 $0x3600, s4  }
0x9: {  	_ =	strace $0x80000047;
	s6 =	smul.u32 $0x3600, s6;
	s10 =	sshrl.u32 s8, $0x1  }
0xa: {  	s24 =	simm.s32 $0x0;
	s8 =	ssub.s32 s8, s10;
	s25 =	sadd.s32 s4, s7  }
0xb: {  	s6 =	sshrl.u32 s6, $0x3;
	s7 =	sadd.s32 $0x144000, s25;
	s26 =	sadd.s32 $0xD8000, s25  }
0xc: {  	s13 =	sadd.s32 $0x6C000, s25;
	s10 =	sshrl.u32 s25, $0x3;
	s9 =	sadd.s32 s6, s5  }
0xd: {  	s5 =	sadd.s32 s2, s6;
	s6 =	smax.u32 s8, $0x1;
	s12 =	sshrl.u32 s7, $0x3  }
0xe: {  	s7 =	sadd.s32 $0x1B0000, s25;
	s8 =	sshrl.u32 s26, $0x3;
	s30 =	sshrl.u32 s13, $0x3  }
0xf: {  	s13 =	simm.s32 $0x6C00;
	s4 =	sadd.s32 $0x400, s9;
	s28 =	sadd.s32 s12, s2  }
0x10: {  	s29 =	sadd.s32 s8, s11;
	s8 =	sadd.s32 s8, s2;
	[dreg:$0x3] =	wrdreg s28  }
0x11: {  	s31 =	sadd.s32 s30, s11;
	s9 =	sadd.s32 s10, s11;
	[dreg:$0x4] =	wrdreg s29  }
0x12: {  	s10 =	sadd.s32 s12, s11;
	s11 =	simm.s32 $0x9;
	[dreg:$0x5] =	wrdreg s8  }
0x13: {  	s12 =	simm.s32 $0x3600;
	[dreg:$0x6] =	wrdreg s31;
	s8 =	sadd.s32 s30, s2  }
.LBB2_1:
0x14: {  	[tilespmem:s3], [sflag:$0x9] =	stream.linear.gather [hbm4b:s4+s3], $0x3600, $0x38;
	[tilespmem:$0x10E00] =	vst v63  }
0x15: {  	p0 =	por $0x1, $0x1;
	_ =	swait.ge [sflag:s11], $0x3600  }
0x16: {  	p0 =	por p0, p0;
	[sflag:s11] =	ssyncset.done $0x0  }
0x17: {  	s25 =	simm.s32 @!p0 $0x6;
	[sflag:s11] =	ssyncadd.s32 $0xFFFFCA00  }
0x18: {  	[tilespmem:s12], [sflag:$0x1] =	stream.linear.gather [hbm4b:s5+s3], $0x3600, $0x38;
	[tilespmem:$0x10E00] =	vst v63  }
0x19: {  	_ =	swait.ge @!p0 [sflag:s25], $0x3600  }
0x1a: {  	[sflag:s25] =	ssyncset.done @!p0 $0x0  }
0x1b: {  	s0 =	sadd.s32 $0x0, s8;
	[sflag:s25] =	ssyncadd.s32 @!p0 $0xFFFFCA00  }
0x1c: {  	[tilespmem:s13], [sflag:$0x2] =	stream.linear.gather [hbm4b:s0+s3], $0x3600, $0x38;
	[tilespmem:$0x10E00] =	vst v63  }
0x1d: {  	_ =	swait.ge [sflag:s14], $0x3600  }
0x1e: {  	[sflag:s14] =	ssyncset.done $0x0  }
0x1f: {  	s1 =	sadd.s32 $0x0, s9;
	s26 =	simm.s32 @!p0 $0x7;
	[sflag:s14] =	ssyncadd.s32 $0xFFFFCA00  }
0x20: {  	[hbm4b:s1+s3] =	stream.linear.scatter [tilespmem:s12], [sflag:$0x5], $0x3600, $0x38;
	[tilespmem:$0x10E00] =	vst v63  }
0x21: {  	_ =	swait.ge @!p0 [sflag:s26], $0x3600  }
0x22: {  	s31 =	rddreg [dreg:$0x5];
	[sflag:s26] =	ssyncset.done @!p0 $0x0  }
0x23: {  	[sflag:s26] =	ssyncadd.s32 @!p0 $0xFFFFCA00;
	s25 =	sadd.s32 $0x0, s31  }
0x24: {  	[tilespmem:s15], [sflag:$0x3] =	stream.linear.gather [hbm4b:s25+s3], $0x3600, $0x38;
	[tilespmem:$0x10E00] =	vst v63  }
0x25: {  	_ =	swait.ge [sflag:s16], $0x3600  }
0x26: {  	s0 =	rddreg [dreg:$0x6];
	[sflag:s16] =	ssyncset.done $0x0  }
0x27: {  	s26 =	simm.s32 @!p0 $0x8;
	[sflag:s16] =	ssyncadd.s32 $0xFFFFCA00;
	s25 =	sadd.s32 $0x0, s0  }
0x28: {  	[hbm4b:s25+s3] =	stream.linear.scatter [tilespmem:s13], [sflag:$0x6], $0x3600, $0x38;
	[tilespmem:$0x10E00] =	vst v63  }
0x29: {  	_ =	swait.ge @!p0 [sflag:s26], $0x3600  }
0x2a: {  	s1 =	rddreg [dreg:$0x3];
	[sflag:s26] =	ssyncset.done @!p0 $0x0  }
0x2b: {  	[sflag:s26] =	ssyncadd.s32 @!p0 $0xFFFFCA00;
	s25 =	sadd.s32 $0x0, s1  }
0x2c: {  	[tilespmem:s17], [sflag:$0x4] =	stream.linear.gather [hbm4b:s25+s3], $0x3600, $0x38;
	[tilespmem:$0x10E00] =	vst v63  }
0x2d: {  	_ =	swait.ge [sflag:s18], $0x3600  }
0x2e: {  	s31 =	rddreg [dreg:$0x4];
	[sflag:s18] =	ssyncset.done $0x0  }
0x2f: {  	[sflag:s18] =	ssyncadd.s32 $0xFFFFCA00;
	s25 =	sadd.s32 $0x0, s31  }
0x30: {  	[hbm4b:s25+s3] =	stream.linear.scatter [tilespmem:s15], [sflag:$0x7], $0x3600, $0x38;
	[tilespmem:$0x10E00] =	vst v63  }
0x31: {  	p6 =	por $0x0, $0x0;
	p0 =	por $0x0, $0x0;
	_ =	swait.ge [sflag:s19], $0x3600  }
0x32: {  	s26 =	sshrl.u32 @!p0 s7, $0x3;
	s28 =	simm.s32 @!p0 $0x3600;
	[sflag:s19] =	ssyncset.done $0x0  }
0x33: {  	s29 =	simm.s32 @!p0 $0x0;
	s26 =	sadd.s32 @!p0 s2, s26;
	[sflag:s19] =	ssyncadd.s32 $0xFFFFCA00  }
0x34: {  	[tilespmem:s28], [sflag:$0x1] =	stream.linear.gather @!p0 [hbm4b:s26+s29], $0x3600, $0x38;
	[tilespmem:$0x10E00] =	vst v63  }
0x35: {  	s30 =	sadd.s32 $0x0, s10;
	s25 =	simm.s32 $0x36000;
	_ =	swait.ge [sflag:s20], $0x3600  }
0x36: {  	s29 =	simm.s32 $0x6C000;
	p0 =	por p6, p6;
	[sflag:s20] =	ssyncset.done $0x0  }
0x37: {  	s26 =	simm.s32 $0x7;
	s28 =	sadd.s32 $0x1B0000, s7;
	[sflag:s20] =	ssyncadd.s32 $0xFFFFCA00  }
.LBB2_2:
0x38: {  	[hbm4b:s30+s3] =	stream.linear.scatter [tilespmem:s17], [sflag:$0x8], $0x3600, $0x38;
	[tilespmem:$0x10E00] =	vst v63  }
0x39: {  	s31 =	simm.s32 @!p0 $0x6  }
0x3a: {  	_ =	swait.ge @!p0 [sflag:s31], $0x3600  }
0x3b: {  	s30 =	smov.u32 s25;
	[sflag:s31] =	ssyncset.done @!p0 $0x0  }
0x3c: {  	s1 =	sadd.s32 s30, s8;
	[sflag:s31] =	ssyncadd.s32 @!p0 $0xFFFFCA00  }
0x3d: {  	[tilespmem:s13], [sflag:$0x2] =	stream.linear.gather [hbm4b:s1+s3], $0x3600, $0x38;
	[tilespmem:$0x10E00] =	vst v63  }
0x3e: {  	_ =	swait.ge [sflag:s14], $0x3600  }
0x3f: {  	[sflag:s14] =	ssyncset.done $0x0  }
0x40: {  	s0 =	sadd.s32 s30, s9;
	s1 =	simm.s32 @!p0 $0x7;
	[sflag:s14] =	ssyncadd.s32 $0xFFFFCA00  }
0x41: {  	[hbm4b:s0+s3] =	stream.linear.scatter [tilespmem:s12], [sflag:$0x5], $0x3600, $0x38;
	[tilespmem:$0x10E00] =	vst v63  }
0x42: {  	_ =	swait.ge @!p0 [sflag:s1], $0x3600  }
0x43: {  	s0 =	rddreg [dreg:$0x5];
	[sflag:s1] =	ssyncset.done @!p0 $0x0  }
0x44: {  	[sflag:s1] =	ssyncadd.s32 @!p0 $0xFFFFCA00;
	s0 =	sadd.s32 s30, s0  }
0x45: {  	[tilespmem:s15], [sflag:$0x3] =	stream.linear.gather [hbm4b:s0+s3], $0x3600, $0x38;
	[tilespmem:$0x10E00] =	vst v63  }
0x46: {  	_ =	swait.ge [sflag:s16], $0x3600  }
0x47: {  	s31 =	rddreg [dreg:$0x6];
	[sflag:s16] =	ssyncset.done $0x0  }
0x48: {  	[sflag:s16] =	ssyncadd.s32 $0xFFFFCA00;
	s1 =	sadd.s32 s30, s31;
	s31 =	simm.s32 @!p0 $0x8  }
0x49: {  	[hbm4b:s1+s3] =	stream.linear.scatter [tilespmem:s13], [sflag:$0x6], $0x3600, $0x38;
	[tilespmem:$0x10E00] =	vst v63  }
0x4a: {  	_ =	swait.ge @!p0 [sflag:s31], $0x3600  }
0x4b: {  	s0 =	rddreg [dreg:$0x3];
	[sflag:s31] =	ssyncset.done @!p0 $0x0  }
0x4c: {  	s25 =	smov.u32 s29;
	[sflag:s31] =	ssyncadd.s32 @!p0 $0xFFFFCA00;
	s1 =	sadd.s32 s30, s0  }
0x4d: {  	[tilespmem:s17], [sflag:$0x4] =	stream.linear.gather [hbm4b:s1+s3], $0x3600, $0x38;
	[tilespmem:$0x10E00] =	vst v63  }
0x4e: {  	s29 =	sadd.s32 $0x36000, s29;
	p2 =	seq.s32 s25, $0x0;
	_ =	swait.ge [sflag:s18], $0x3600  }
0x4f: {  	p0 =	por p2, p2;
	s31 =	rddreg [dreg:$0x4];
	[sflag:s18] =	ssyncset.done $0x0  }
0x50: {  	p2 =	sgt.u32 s26, $0x3E;
	[sflag:s18] =	ssyncadd.s32 $0xFFFFCA00;
	s1 =	sadd.s32 s30, s31  }
0x51: {  	[hbm4b:s1+s3] =	stream.linear.scatter [tilespmem:s15], [sflag:$0x7], $0x3600, $0x38;
	[tilespmem:$0x10E00] =	vst v63  }
0x52: {  	p1 =	sne.s32 s29, $0x360000;
	s0 =	simm.s32 @!p2 $0x0;
	_ =	swait.ge [sflag:s19], $0x3600  }
0x53: {  	s31 =	simm.s32 @!p2 $0x3600;
	s1 =	sshrl.u32 @!p2 s28, $0x3;
	[sflag:s19] =	ssyncset.done $0x0  }
.Ltmp0:
0x54: {  	s1 =	sadd.s32 @!p2 s2, s1;
	[sflag:s19] =	ssyncadd.s32 $0xFFFFCA00;
	(pc) =	sbr.rel @p1 .LBB2_2-.Ltmp0, $4  }
0x55: {  	[tilespmem:s31], [sflag:$0x1] =	stream.linear.gather @!p2 [hbm4b:s1+s0], $0x3600, $0x38;
	[tilespmem:$0x10E00] =	vst v63  }
0x56: {  	_ =	swait.ge [sflag:s20], $0x3600  }
0x57: {  	s26 =	sadd.s32 $0x4, s26;
	[sflag:s20] =	ssyncset.done $0x0  }
0x58: {  	s30 =	sadd.s32 s30, s10;
	s28 =	sadd.s32 $0x1B0000, s28;
	[sflag:s20] =	ssyncadd.s32 $0xFFFFCA00  }
0x59: {  	[hbm4b:s30+s3] =	stream.linear.scatter [tilespmem:s17], [sflag:$0x8], $0x3600, $0x38;
	[tilespmem:$0x10E00] =	vst v63  }
0x5a: {  	s0 =	simm.s32 @!p0 $0x6  }
0x5b: {  	_ =	swait.ge @!p0 [sflag:s0], $0x3600  }
0x5c: {  	[sflag:s0] =	ssyncset.done @!p0 $0x0  }
0x5d: {  	s29 =	sadd.s32 s25, s8;
	[sflag:s0] =	ssyncadd.s32 @!p0 $0xFFFFCA00  }
0x5e: {  	[tilespmem:s13], [sflag:$0x2] =	stream.linear.gather [hbm4b:s29+s3], $0x3600, $0x38;
	[tilespmem:$0x10E00] =	vst v63  }
0x5f: {  	_ =	swait.ge [sflag:s14], $0x3600  }
0x60: {  	[sflag:s14] =	ssyncset.done $0x0  }
0x61: {  	s30 =	sadd.s32 s25, s9;
	s1 =	simm.s32 @!p0 $0x7;
	[sflag:s14] =	ssyncadd.s32 $0xFFFFCA00  }
0x62: {  	[hbm4b:s30+s3] =	stream.linear.scatter [tilespmem:s12], [sflag:$0x5], $0x3600, $0x38;
	[tilespmem:$0x10E00] =	vst v63  }
0x63: {  	_ =	swait.ge @!p0 [sflag:s1], $0x3600  }
0x64: {  	s31 =	rddreg [dreg:$0x5];
	[sflag:s1] =	ssyncset.done @!p0 $0x0  }
0x65: {  	[sflag:s1] =	ssyncadd.s32 @!p0 $0xFFFFCA00;
	s0 =	sadd.s32 s25, s31  }
0x66: {  	[tilespmem:s15], [sflag:$0x3] =	stream.linear.gather [hbm4b:s0+s3], $0x3600, $0x38;
	[tilespmem:$0x10E00] =	vst v63  }
0x67: {  	_ =	swait.ge [sflag:s16], $0x3600  }
0x68: {  	s1 =	rddreg [dreg:$0x6];
	[sflag:s16] =	ssyncset.done $0x0  }
0x69: {  	[sflag:s16] =	ssyncadd.s32 $0xFFFFCA00;
	s0 =	sadd.s32 s25, s1;
	s1 =	simm.s32 @!p0 $0x8  }
0x6a: {  	[hbm4b:s0+s3] =	stream.linear.scatter [tilespmem:s13], [sflag:$0x6], $0x3600, $0x38;
	[tilespmem:$0x10E00] =	vst v63  }
0x6b: {  	_ =	swait.ge @!p0 [sflag:s1], $0x3600  }
0x6c: {  	s29 =	rddreg [dreg:$0x3];
	[sflag:s1] =	ssyncset.done @!p0 $0x0  }
0x6d: {  	[sflag:s1] =	ssyncadd.s32 @!p0 $0xFFFFCA00;
	s0 =	sadd.s32 s25, s29  }
0x6e: {  	[tilespmem:s17], [sflag:$0x4] =	stream.linear.gather [hbm4b:s0+s3], $0x3600, $0x38;
	[tilespmem:$0x10E00] =	vst v63  }
0x6f: {  	_ =	swait.ge [sflag:s18], $0x3600  }
0x70: {  	s30 =	rddreg [dreg:$0x4];
	[sflag:s18] =	ssyncset.done $0x0  }
0x71: {  	[sflag:s18] =	ssyncadd.s32 $0xFFFFCA00;
	s0 =	sadd.s32 s25, s30  }
0x72: {  	[hbm4b:s0+s3] =	stream.linear.scatter [tilespmem:s15], [sflag:$0x7], $0x3600, $0x38;
	[tilespmem:$0x10E00] =	vst v63  }
0x73: {  	p0 =	sgt.u32 s26, $0x3E;
	_ =	swait.ge [sflag:s19], $0x3600  }
0x74: {  	s1 =	simm.s32 @!p0 $0x3600;
	s0 =	sshrl.u32 @!p0 s28, $0x3;
	[sflag:s19] =	ssyncset.done $0x0  }
0x75: {  	s26 =	simm.s32 @!p0 $0x0;
	s0 =	sadd.s32 @!p0 s2, s0;
	[sflag:s19] =	ssyncadd.s32 $0xFFFFCA00  }
0x76: {  	[tilespmem:s1], [sflag:$0x1] =	stream.linear.gather @!p0 [hbm4b:s0+s26], $0x3600, $0x38;
	[tilespmem:$0x10E00] =	vst v63  }
0x77: {  	_ =	swait.ge [sflag:s20], $0x3600  }
0x78: {  	[sflag:s20] =	ssyncset.done $0x0  }
0x79: {  	s31 =	sadd.s32 s25, s10;
	[sflag:s20] =	ssyncadd.s32 $0xFFFFCA00  }
0x7a: {  	[hbm4b:s31+s3] =	stream.linear.scatter [tilespmem:s17], [sflag:$0x8], $0x3600, $0x38;
	[tilespmem:$0x10E00] =	vst v63  }
0x7b: {  	_ =	swait.ge [sflag:s21], $0x3600  }
0x7c: {  	[sflag:s21] =	ssyncset.done $0x0  }
0x7d: {  	s24 =	sadd.s32 $0x1, s24;
	[sflag:s21] =	ssyncadd.s32 $0xFFFFCA00  }
0x7e: {  	p0 =	sne.s32 s24, s6;
	_ =	swait.ge [sflag:s22], $0x3600  }
.Ltmp1:
0x7f: {  	[sflag:s22] =	ssyncset.done $0x0;
	(pc) =	sbr.rel @p0 .LBB2_1-.Ltmp1, $4  }
0x80: {  	[sflag:s22] =	ssyncadd.s32 $0xFFFFCA00  }
0x81: {  	_ =	swait.ge [sflag:s23], $0x3600  }
0x82: {  	[sflag:s23] =	ssyncset.done $0x0  }
0x83: {  	[sflag:s23] =	ssyncadd.s32 $0xFFFFCA00  }
0x84: {  	_ =	sfence.sel $0x180000  }
0x85: {  	[bflag:$0x0] =	sbarrier.arrive $0xFFFF  }
0x86: {  	_ =	strace $0x90000047  }
0x87: {  	s0 =	stileid.u32;
	[bflag:$0x2] =	sbarrier.arrive $0xFFFF  }
0x88: {  	p0 =	sne.s32 s0, $0x0;
	s0 =	rddreg [dreg:$0x2]  }
0x89: {  	s0 =	sadd.s32 @!p0 $0x100000, s0  }
0x8a: {  	[sflag:s0] =	ssyncadd.tile.s32 @!p0 $0x1;
	_ =	shalt  }
.Lfunc_end2:
_tile_overlayer_lowered:
.L_overlay_start_2:
0x8b: {  	(tag) =	ssettag $0x2  }
0x8c: {  	s0 =	rddreg [dreg:$0x0];
	s2 =	stileid.u32  }
0x8d: {  	s1 =	rddreg [dreg:$0x1];
	p0 =	sne.s32 s2, $0x0  }
0x8e: {  	s3 =	rddreg [dreg:$0x2];
	[bflag:$0x3] =	sbarrier.arrive $0xFFFF;
	s2 =	simm.s32 @!p0 $0x1C09  }
0x8f: {  	[timem:s3], [sflag:s2] =	dma.local @!p0 [hbm:s0], s1  }
0x90: {  	s0 =	simm.s32 @!p0 $0x9  }
0x91: {  	_ =	swait.ge @!p0 [sflag:s0], s1  }
0x92: {  	s1 =	ssub.s32 @!p0 $0x0, s1;
	[sflag:s0] =	ssyncset.done @!p0 $0x0  }
0x93: {  	[sflag:s0] =	ssyncadd.s32 @!p0 s1  }
0x94: {  	[bflag:$0x3] =	sbarrier.arrive $0xFFFF  }
0x95: {  	_ =	shalt  }

</sc_bundles>
